<compile_context>
chip_gen: v7x
topology: tpu7x:2x2x1
jax: 0.10.2.dev20260603
libtpu: 0.0.44.dev20260713+nightly
codegen_flags: <defaults>
</compile_context>

<pallas_src>
import functools

import jax
import jax.numpy as jnp
from jax import lax
from jax.experimental import pallas as pl
from jax.experimental.pallas import tpu as pltpu
from jax.experimental.pallas import tpu_sc as plsc

_ROWS = 16906
_DIM = 200
_NC = 2
_NS = 16
_NW = _NC * _NS
_CHUNK = 528
_SUB = 176
_NSUB = _CHUNK // _SUB
_NBUF = 2
_TAIL = _NW * _CHUNK


@functools.partial(
    pl.kernel,
    out_type=jax.ShapeDtypeStruct((_ROWS, _DIM), jnp.float32),
    mesh=plsc.VectorSubcoreMesh(core_axis_name="c", subcore_axis_name="s"),
    compiler_params=pltpu.CompilerParams(
        skip_device_barrier=True,
        disable_bounds_checks=True,
        disable_semaphore_checks=True,
    ),
    scratch_types=[
        pltpu.VMEM((_NBUF, _SUB, _DIM), jnp.float32),
        pltpu.SemaphoreType.DMA((_NSUB,)),
        pltpu.SemaphoreType.DMA((_NSUB,)),
    ],
)
def _pos_embed_copy(table_hbm, out_hbm, bufs, in_sems, out_sems):
    wid = lax.axis_index("s") * _NC + lax.axis_index("c")
    base = wid * _CHUNK

    def in_copy(j):
        return pltpu.make_async_copy(
            table_hbm.at[pl.ds(base + j * _SUB, _SUB), :],
            bufs.at[j % _NBUF],
            in_sems.at[j],
        )

    def out_copy(j):
        return pltpu.make_async_copy(
            bufs.at[j % _NBUF],
            out_hbm.at[pl.ds(base + j * _SUB, _SUB), :],
            out_sems.at[j],
        )

    for j in range(min(_NBUF, _NSUB)):
        in_copy(j).start()
    for j in range(_NSUB):
        in_copy(j).wait()
        out_copy(j).start()
        nxt = j + 1
        if _NBUF <= nxt < _NSUB:
            out_copy(nxt - _NBUF).wait()
            in_copy(nxt).start()

    @pl.when(wid == 0)
    def _tail_a():
        pltpu.sync_copy(
            table_hbm.at[pl.ds(_TAIL, 8), :],
            out_hbm.at[pl.ds(_TAIL, 8), :],
        )

    @pl.when(wid == 1)
    def _tail_b():
        pltpu.sync_copy(
            table_hbm.at[pl.ds(_TAIL + 8, 2), :],
            out_hbm.at[pl.ds(_TAIL + 8, 2), :],
        )

    for j in range(_NSUB):
        if j + _NBUF >= _NSUB:
            out_copy(j).wait()


def kernel(x, table):
    del x
    return _pos_embed_copy(table)

# --- scband reference (transcript-rebuilt; emitter-appended) ---
"""Pipeline reference for scband-gene2-vec-positional-embedding-no-freeze-29033978921573 (READ-ONLY COPY).

The authoritative reference and input builder live on the scoring server;
editing this copy changes nothing except your own understanding.
"""

import jax, jax.numpy as jnp
import numpy as np

NUM_GENES = 16906
DIM = 200
BATCH = 8
SEQ_LEN = 16906


def setup_inputs(seed: int = 0) -> dict:
    key = jax.random.key(seed)
    k_x, k_tab = jax.random.split(key)
    # x: only its shape[1] is used by the forward, but it is an index tensor in the model
    x = jax.random.randint(k_x, (BATCH, SEQ_LEN), 0, NUM_GENES, dtype=jnp.int64)
    # gene2vec table: (16906, 200) loaded weights + one appended zero row -> (16907, 200)
    base = jax.random.normal(k_tab, (NUM_GENES, DIM), dtype=jnp.float32)
    table = jnp.concatenate([base, jnp.zeros((1, DIM), dtype=jnp.float32)], axis=0)
    return {"x": x, "table": table}


def reference(x, table):
    # t = arange(x.shape[1]); return emb(t)  -> positional embedding lookup
    t = jnp.arange(x.shape[1])
    return jnp.take(table, t, axis=0)

if __name__ == "__main__":
    import jax
    _d = setup_inputs()
    print(jax.jit(kernel)(*tuple(_d.values())))

</pallas_src>

<mosaic_0001>
#map = affine_map<(d0, d1) -> (0, 0)>
module attributes {stable_mosaic.version = 14 : i64} {
  func.func @_pos_embed_copy(%arg0: i32, %arg1: i32, %arg2: memref<16907x200xf32, #tpu.memory_space<hbm>>, %arg3: memref<16906x200xf32, #tpu.memory_space<hbm>>, %arg4: memref<2x176x200xf32, #tpu.memory_space<vmem>>, %arg5: memref<3x!tpu.dma_semaphore, #tpu.memory_space<semaphore_mem>>, %arg6: memref<3x!tpu.dma_semaphore, #tpu.memory_space<semaphore_mem>>) attributes {dimension_semantics = [#tpu.dimension_semantics<core_parallel>, #tpu.dimension_semantics<subcore_parallel>], iteration_bounds = array<i64: 2, 16>, scalar_prefetch = 0 : i64, scratch_operands = 3 : i64, tpu.core_type = #tpu.core_type<sc_vector_subcore>, window_params = [{transform_indices = #map}, {transform_indices = #map}]} {
    %mul3A = arith.constant 2 : i32
    %mul3A_0 = arith.muli %arg1, %mul3A : i32
    %add3A = arith.addi %mul3A_0, %arg0 : i32
    %mul3A_1 = arith.constant 528 : i32
    %mul3A_2 = arith.muli %add3A, %mul3A_1 : i32
    %add3A_3 = arith.constant 0 : i32
    %add3A_4 = arith.addi %mul3A_2, %add3A_3 : i32
    %dma_start3A = arith.constant 0 : i32
    %dma_start3A_5 = arith.constant 0 : i32
    %dma_start3A_6 = arith.constant 0 : i32
    %dma_start3A_7 = arith.constant 0 : i32
    %dma_start3A_8 = tpu.memref_slice %arg4[%dma_start3A, %dma_start3A_6, %dma_start3A_7] : memref<2x176x200xf32, #tpu.memory_space<vmem>> -> memref<1x176x200xf32, #tpu.memory_space<vmem>>
    %dma_start3A_9 = tpu.memref_squeeze %dma_start3A_8 : memref<1x176x200xf32, #tpu.memory_space<vmem>> -> memref<176x200xf32, #tpu.memory_space<vmem>>
    %dma_start3A_10 = arith.constant 0 : i32
    %dma_start3A_11 = tpu.memref_slice %arg2[%add3A_4, %dma_start3A_10] : memref<16907x200xf32, #tpu.memory_space<hbm>> -> memref<176x200xf32, #tpu.memory_space<hbm>>
    %dma_start3A_12 = tpu.memref_slice %arg5[%dma_start3A_5] : memref<3x!tpu.dma_semaphore, #tpu.memory_space<semaphore_mem>> -> memref<1x!tpu.dma_semaphore, #tpu.memory_space<semaphore_mem>>
    %dma_start3A_13 = tpu.memref_squeeze %dma_start3A_12 : memref<1x!tpu.dma_semaphore, #tpu.memory_space<semaphore_mem>> -> memref<!tpu.dma_semaphore, #tpu.memory_space<semaphore_mem>>
    %dma_start3A_14 = arith.constant 0 : i32
    %dma_start3A_15 = arith.constant 0 : i32
    %dma_start3A_16 = tpu.memref_slice %arg4[%dma_start3A, %dma_start3A_14, %dma_start3A_15] : memref<2x176x200xf32, #tpu.memory_space<vmem>> -> memref<1x176x200xf32, #tpu.memory_space<vmem>>
    %dma_start3A_17 = tpu.memref_squeeze %dma_start3A_16 : memref<1x176x200xf32, #tpu.memory_space<vmem>> -> memref<176x200xf32, #tpu.memory_space<vmem>>
    %dma_start3A_18 = arith.constant 0 : i32
    %dma_start3A_19 = tpu.memref_slice %arg2[%add3A_4, %dma_start3A_18] : memref<16907x200xf32, #tpu.memory_space<hbm>> -> memref<176x200xf32, #tpu.memory_space<hbm>>
    tpu.enqueue_dma source(%dma_start3A_19 : memref<176x200xf32, #tpu.memory_space<hbm>>) target(%dma_start3A_17 : memref<176x200xf32, #tpu.memory_space<vmem>>) target_semaphore(%dma_start3A_13 : memref<!tpu.dma_semaphore, #tpu.memory_space<semaphore_mem>>)
    %add3A_20 = arith.constant 176 : i32
    %add3A_21 = arith.addi %mul3A_2, %add3A_20 : i32
    %dma_start3A_22 = arith.constant 1 : i32
    %dma_start3A_23 = arith.constant 1 : i32
    %dma_start3A_24 = arith.constant 0 : i32
    %dma_start3A_25 = arith.constant 0 : i32
    %dma_start3A_26 = tpu.memref_slice %arg4[%dma_start3A_22, %dma_start3A_24, %dma_start3A_25] : memref<2x176x200xf32, #tpu.memory_space<vmem>> -> memref<1x176x200xf32, #tpu.memory_space<vmem>>
    %dma_start3A_27 = tpu.memref_squeeze %dma_start3A_26 : memref<1x176x200xf32, #tpu.memory_space<vmem>> -> memref<176x200xf32, #tpu.memory_space<vmem>>
    %dma_start3A_28 = arith.constant 0 : i32
    %dma_start3A_29 = tpu.memref_slice %arg2[%add3A_21, %dma_start3A_28] : memref<16907x200xf32, #tpu.memory_space<hbm>> -> memref<176x200xf32, #tpu.memory_space<hbm>>
    %dma_start3A_30 = tpu.memref_slice %arg5[%dma_start3A_23] : memref<3x!tpu.dma_semaphore, #tpu.memory_space<semaphore_mem>> -> memref<1x!tpu.dma_semaphore, #tpu.memory_space<semaphore_mem>>
    %dma_start3A_31 = tpu.memref_squeeze %dma_start3A_30 : memref<1x!tpu.dma_semaphore, #tpu.memory_space<semaphore_mem>> -> memref<!tpu.dma_semaphore, #tpu.memory_space<semaphore_mem>>
    %dma_start3A_32 = arith.constant 0 : i32
    %dma_start3A_33 = arith.constant 0 : i32
    %dma_start3A_34 = tpu.memref_slice %arg4[%dma_start3A_22, %dma_start3A_32, %dma_start3A_33] : memref<2x176x200xf32, #tpu.memory_space<vmem>> -> memref<1x176x200xf32, #tpu.memory_space<vmem>>
    %dma_start3A_35 = tpu.memref_squeeze %dma_start3A_34 : memref<1x176x200xf32, #tpu.memory_space<vmem>> -> memref<176x200xf32, #tpu.memory_space<vmem>>
    %dma_start3A_36 = arith.constant 0 : i32
    %dma_start3A_37 = tpu.memref_slice %arg2[%add3A_21, %dma_start3A_36] : memref<16907x200xf32, #tpu.memory_space<hbm>> -> memref<176x200xf32, #tpu.memory_space<hbm>>
    tpu.enqueue_dma source(%dma_start3A_37 : memref<176x200xf32, #tpu.memory_space<hbm>>) target(%dma_start3A_35 : memref<176x200xf32, #tpu.memory_space<vmem>>) target_semaphore(%dma_start3A_31 : memref<!tpu.dma_semaphore, #tpu.memory_space<semaphore_mem>>)
    %add3A_38 = arith.constant 0 : i32
    %add3A_39 = arith.addi %mul3A_2, %add3A_38 : i32
    %dma_wait3A = arith.constant 0 : i32
    %dma_wait3A_40 = arith.constant 0 : i32
    %dma_wait3A_41 = arith.constant 0 : i32
    %dma_wait3A_42 = arith.constant 0 : i32
    %dma_wait3A_43 = tpu.memref_slice %arg4[%dma_wait3A, %dma_wait3A_41, %dma_wait3A_42] : memref<2x176x200xf32, #tpu.memory_space<vmem>> -> memref<1x176x200xf32, #tpu.memory_space<vmem>>
    %dma_wait3A_44 = tpu.memref_squeeze %dma_wait3A_43 : memref<1x176x200xf32, #tpu.memory_space<vmem>> -> memref<176x200xf32, #tpu.memory_space<vmem>>
    %dma_wait3A_45 = arith.constant 0 : i32
    %dma_wait3A_46 = tpu.memref_slice %arg2[%add3A_39, %dma_wait3A_45] : memref<16907x200xf32, #tpu.memory_space<hbm>> -> memref<176x200xf32, #tpu.memory_space<hbm>>
    %dma_wait3A_47 = tpu.memref_slice %arg5[%dma_wait3A_40] : memref<3x!tpu.dma_semaphore, #tpu.memory_space<semaphore_mem>> -> memref<1x!tpu.dma_semaphore, #tpu.memory_space<semaphore_mem>>
    %dma_wait3A_48 = tpu.memref_squeeze %dma_wait3A_47 : memref<1x!tpu.dma_semaphore, #tpu.memory_space<semaphore_mem>> -> memref<!tpu.dma_semaphore, #tpu.memory_space<semaphore_mem>>
    %dma_wait3A_49 = arith.constant 0 : i32
    %dma_wait3A_50 = arith.constant 0 : i32
    %dma_wait3A_51 = tpu.memref_slice %arg4[%dma_wait3A, %dma_wait3A_49, %dma_wait3A_50] : memref<2x176x200xf32, #tpu.memory_space<vmem>> -> memref<1x176x200xf32, #tpu.memory_space<vmem>>
    %dma_wait3A_52 = tpu.memref_squeeze %dma_wait3A_51 : memref<1x176x200xf32, #tpu.memory_space<vmem>> -> memref<176x200xf32, #tpu.memory_space<vmem>>
    %dma_wait3A_53 = arith.constant 0 : i32
    %dma_wait3A_54 = tpu.memref_slice %arg2[%add3A_39, %dma_wait3A_53] : memref<16907x200xf32, #tpu.memory_space<hbm>> -> memref<176x200xf32, #tpu.memory_space<hbm>>
    tpu.wait_dma2 semaphore(%dma_wait3A_48 : memref<!tpu.dma_semaphore, #tpu.memory_space<semaphore_mem>>) src(%dma_wait3A_54 : memref<176x200xf32, #tpu.memory_space<hbm>>) dst(%dma_wait3A_52 : memref<176x200xf32, #tpu.memory_space<vmem>>)
    %add3A_55 = arith.constant 0 : i32
    %add3A_56 = arith.addi %mul3A_2, %add3A_55 : i32
    %dma_start3A_57 = arith.constant 0 : i32
    %dma_start3A_58 = arith.constant 0 : i32
    %dma_start3A_59 = arith.constant 0 : i32
    %dma_start3A_60 = arith.constant 0 : i32
    %dma_start3A_61 = tpu.memref_slice %arg4[%dma_start3A_57, %dma_start3A_59, %dma_start3A_60] : memref<2x176x200xf32, #tpu.memory_space<vmem>> -> memref<1x176x200xf32, #tpu.memory_space<vmem>>
    %dma_start3A_62 = tpu.memref_squeeze %dma_start3A_61 : memref<1x176x200xf32, #tpu.memory_space<vmem>> -> memref<176x200xf32, #tpu.memory_space<vmem>>
    %dma_start3A_63 = arith.constant 0 : i32
    %dma_start3A_64 = tpu.memref_slice %arg3[%add3A_56, %dma_start3A_63] : memref<16906x200xf32, #tpu.memory_space<hbm>> -> memref<176x200xf32, #tpu.memory_space<hbm>>
    %dma_start3A_65 = tpu.memref_slice %arg6[%dma_start3A_58] : memref<3x!tpu.dma_semaphore, #tpu.memory_space<semaphore_mem>> -> memref<1x!tpu.dma_semaphore, #tpu.memory_space<semaphore_mem>>
    %dma_start3A_66 = tpu.memref_squeeze %dma_start3A_65 : memref<1x!tpu.dma_semaphore, #tpu.memory_space<semaphore_mem>> -> memref<!tpu.dma_semaphore, #tpu.memory_space<semaphore_mem>>
    %dma_start3A_67 = arith.constant 0 : i32
    %dma_start3A_68 = tpu.memref_slice %arg3[%add3A_56, %dma_start3A_67] : memref<16906x200xf32, #tpu.memory_space<hbm>> -> memref<176x200xf32, #tpu.memory_space<hbm>>
    %dma_start3A_69 = arith.constant 0 : i32
    %dma_start3A_70 = arith.constant 0 : i32
    %dma_start3A_71 = tpu.memref_slice %arg4[%dma_start3A_57, %dma_start3A_69, %dma_start3A_70] : memref<2x176x200xf32, #tpu.memory_space<vmem>> -> memref<1x176x200xf32, #tpu.memory_space<vmem>>
    %dma_start3A_72 = tpu.memref_squeeze %dma_start3A_71 : memref<1x176x200xf32, #tpu.memory_space<vmem>> -> memref<176x200xf32, #tpu.memory_space<vmem>>
    tpu.enqueue_dma source(%dma_start3A_72 : memref<176x200xf32, #tpu.memory_space<vmem>>) target(%dma_start3A_68 : memref<176x200xf32, #tpu.memory_space<hbm>>) target_semaphore(%dma_start3A_66 : memref<!tpu.dma_semaphore, #tpu.memory_space<semaphore_mem>>)
    %add3A_73 = arith.constant 176 : i32
    %add3A_74 = arith.addi %mul3A_2, %add3A_73 : i32
    %dma_wait3A_75 = arith.constant 1 : i32
    %dma_wait3A_76 = arith.constant 1 : i32
    %dma_wait3A_77 = arith.constant 0 : i32
    %dma_wait3A_78 = arith.constant 0 : i32
    %dma_wait3A_79 = tpu.memref_slice %arg4[%dma_wait3A_75, %dma_wait3A_77, %dma_wait3A_78] : memref<2x176x200xf32, #tpu.memory_space<vmem>> -> memref<1x176x200xf32, #tpu.memory_space<vmem>>
    %dma_wait3A_80 = tpu.memref_squeeze %dma_wait3A_79 : memref<1x176x200xf32, #tpu.memory_space<vmem>> -> memref<176x200xf32, #tpu.memory_space<vmem>>
    %dma_wait3A_81 = arith.constant 0 : i32
    %dma_wait3A_82 = tpu.memref_slice %arg2[%add3A_74, %dma_wait3A_81] : memref<16907x200xf32, #tpu.memory_space<hbm>> -> memref<176x200xf32, #tpu.memory_space<hbm>>
    %dma_wait3A_83 = tpu.memref_slice %arg5[%dma_wait3A_76] : memref<3x!tpu.dma_semaphore, #tpu.memory_space<semaphore_mem>> -> memref<1x!tpu.dma_semaphore, #tpu.memory_space<semaphore_mem>>
    %dma_wait3A_84 = tpu.memref_squeeze %dma_wait3A_83 : memref<1x!tpu.dma_semaphore, #tpu.memory_space<semaphore_mem>> -> memref<!tpu.dma_semaphore, #tpu.memory_space<semaphore_mem>>
    %dma_wait3A_85 = arith.constant 0 : i32
    %dma_wait3A_86 = arith.constant 0 : i32
    %dma_wait3A_87 = tpu.memref_slice %arg4[%dma_wait3A_75, %dma_wait3A_85, %dma_wait3A_86] : memref<2x176x200xf32, #tpu.memory_space<vmem>> -> memref<1x176x200xf32, #tpu.memory_space<vmem>>
    %dma_wait3A_88 = tpu.memref_squeeze %dma_wait3A_87 : memref<1x176x200xf32, #tpu.memory_space<vmem>> -> memref<176x200xf32, #tpu.memory_space<vmem>>
    %dma_wait3A_89 = arith.constant 0 : i32
    %dma_wait3A_90 = tpu.memref_slice %arg2[%add3A_74, %dma_wait3A_89] : memref<16907x200xf32, #tpu.memory_space<hbm>> -> memref<176x200xf32, #tpu.memory_space<hbm>>
    tpu.wait_dma2 semaphore(%dma_wait3A_84 : memref<!tpu.dma_semaphore, #tpu.memory_space<semaphore_mem>>) src(%dma_wait3A_90 : memref<176x200xf32, #tpu.memory_space<hbm>>) dst(%dma_wait3A_88 : memref<176x200xf32, #tpu.memory_space<vmem>>)
    %add3A_91 = arith.constant 176 : i32
    %add3A_92 = arith.addi %mul3A_2, %add3A_91 : i32
    %dma_start3A_93 = arith.constant 1 : i32
    %dma_start3A_94 = arith.constant 1 : i32
    %dma_start3A_95 = arith.constant 0 : i32
    %dma_start3A_96 = arith.constant 0 : i32
    %dma_start3A_97 = tpu.memref_slice %arg4[%dma_start3A_93, %dma_start3A_95, %dma_start3A_96] : memref<2x176x200xf32, #tpu.memory_space<vmem>> -> memref<1x176x200xf32, #tpu.memory_space<vmem>>
    %dma_start3A_98 = tpu.memref_squeeze %dma_start3A_97 : memref<1x176x200xf32, #tpu.memory_space<vmem>> -> memref<176x200xf32, #tpu.memory_space<vmem>>
    %dma_start3A_99 = arith.constant 0 : i32
    %dma_start3A_100 = tpu.memref_slice %arg3[%add3A_92, %dma_start3A_99] : memref<16906x200xf32, #tpu.memory_space<hbm>> -> memref<176x200xf32, #tpu.memory_space<hbm>>
    %dma_start3A_101 = tpu.memref_slice %arg6[%dma_start3A_94] : memref<3x!tpu.dma_semaphore, #tpu.memory_space<semaphore_mem>> -> memref<1x!tpu.dma_semaphore, #tpu.memory_space<semaphore_mem>>
    %dma_start3A_102 = tpu.memref_squeeze %dma_start3A_101 : memref<1x!tpu.dma_semaphore, #tpu.memory_space<semaphore_mem>> -> memref<!tpu.dma_semaphore, #tpu.memory_space<semaphore_mem>>
    %dma_start3A_103 = arith.constant 0 : i32
    %dma_start3A_104 = tpu.memref_slice %arg3[%add3A_92, %dma_start3A_103] : memref<16906x200xf32, #tpu.memory_space<hbm>> -> memref<176x200xf32, #tpu.memory_space<hbm>>
    %dma_start3A_105 = arith.constant 0 : i32
    %dma_start3A_106 = arith.constant 0 : i32
    %dma_start3A_107 = tpu.memref_slice %arg4[%dma_start3A_93, %dma_start3A_105, %dma_start3A_106] : memref<2x176x200xf32, #tpu.memory_space<vmem>> -> memref<1x176x200xf32, #tpu.memory_space<vmem>>
    %dma_start3A_108 = tpu.memref_squeeze %dma_start3A_107 : memref<1x176x200xf32, #tpu.memory_space<vmem>> -> memref<176x200xf32, #tpu.memory_space<vmem>>
    tpu.enqueue_dma source(%dma_start3A_108 : memref<176x200xf32, #tpu.memory_space<vmem>>) target(%dma_start3A_104 : memref<176x200xf32, #tpu.memory_space<hbm>>) target_semaphore(%dma_start3A_102 : memref<!tpu.dma_semaphore, #tpu.memory_space<semaphore_mem>>)
    %add3A_109 = arith.constant 0 : i32
    %add3A_110 = arith.addi %mul3A_2, %add3A_109 : i32
    %dma_wait3A_111 = arith.constant 0 : i32
    %dma_wait3A_112 = arith.constant 0 : i32
    %dma_wait3A_113 = arith.constant 0 : i32
    %dma_wait3A_114 = arith.constant 0 : i32
    %dma_wait3A_115 = tpu.memref_slice %arg4[%dma_wait3A_111, %dma_wait3A_113, %dma_wait3A_114] : memref<2x176x200xf32, #tpu.memory_space<vmem>> -> memref<1x176x200xf32, #tpu.memory_space<vmem>>
    %dma_wait3A_116 = tpu.memref_squeeze %dma_wait3A_115 : memref<1x176x200xf32, #tpu.memory_space<vmem>> -> memref<176x200xf32, #tpu.memory_space<vmem>>
    %dma_wait3A_117 = arith.constant 0 : i32
    %dma_wait3A_118 = tpu.memref_slice %arg3[%add3A_110, %dma_wait3A_117] : memref<16906x200xf32, #tpu.memory_space<hbm>> -> memref<176x200xf32, #tpu.memory_space<hbm>>
    %dma_wait3A_119 = tpu.memref_slice %arg6[%dma_wait3A_112] : memref<3x!tpu.dma_semaphore, #tpu.memory_space<semaphore_mem>> -> memref<1x!tpu.dma_semaphore, #tpu.memory_space<semaphore_mem>>
    %dma_wait3A_120 = tpu.memref_squeeze %dma_wait3A_119 : memref<1x!tpu.dma_semaphore, #tpu.memory_space<semaphore_mem>> -> memref<!tpu.dma_semaphore, #tpu.memory_space<semaphore_mem>>
    %dma_wait3A_121 = arith.constant 0 : i32
    %dma_wait3A_122 = tpu.memref_slice %arg3[%add3A_110, %dma_wait3A_121] : memref<16906x200xf32, #tpu.memory_space<hbm>> -> memref<176x200xf32, #tpu.memory_space<hbm>>
    %dma_wait3A_123 = arith.constant 0 : i32
    %dma_wait3A_124 = arith.constant 0 : i32
    %dma_wait3A_125 = tpu.memref_slice %arg4[%dma_wait3A_111, %dma_wait3A_123, %dma_wait3A_124] : memref<2x176x200xf32, #tpu.memory_space<vmem>> -> memref<1x176x200xf32, #tpu.memory_space<vmem>>
    %dma_wait3A_126 = tpu.memref_squeeze %dma_wait3A_125 : memref<1x176x200xf32, #tpu.memory_space<vmem>> -> memref<176x200xf32, #tpu.memory_space<vmem>>
    tpu.wait_dma2 semaphore(%dma_wait3A_120 : memref<!tpu.dma_semaphore, #tpu.memory_space<semaphore_mem>>) src(%dma_wait3A_126 : memref<176x200xf32, #tpu.memory_space<vmem>>) dst(%dma_wait3A_122 : memref<176x200xf32, #tpu.memory_space<hbm>>)
    %add3A_127 = arith.constant 352 : i32
    %add3A_128 = arith.addi %mul3A_2, %add3A_127 : i32
    %dma_start3A_129 = arith.constant 0 : i32
    %dma_start3A_130 = arith.constant 2 : i32
    %dma_start3A_131 = arith.constant 0 : i32
    %dma_start3A_132 = arith.constant 0 : i32
    %dma_start3A_133 = tpu.memref_slice %arg4[%dma_start3A_129, %dma_start3A_131, %dma_start3A_132] : memref<2x176x200xf32, #tpu.memory_space<vmem>> -> memref<1x176x200xf32, #tpu.memory_space<vmem>>
    %dma_start3A_134 = tpu.memref_squeeze %dma_start3A_133 : memref<1x176x200xf32, #tpu.memory_space<vmem>> -> memref<176x200xf32, #tpu.memory_space<vmem>>
    %dma_start3A_135 = arith.constant 0 : i32
    %dma_start3A_136 = tpu.memref_slice %arg2[%add3A_128, %dma_start3A_135] : memref<16907x200xf32, #tpu.memory_space<hbm>> -> memref<176x200xf32, #tpu.memory_space<hbm>>
    %dma_start3A_137 = tpu.memref_slice %arg5[%dma_start3A_130] : memref<3x!tpu.dma_semaphore, #tpu.memory_space<semaphore_mem>> -> memref<1x!tpu.dma_semaphore, #tpu.memory_space<semaphore_mem>>
    %dma_start3A_138 = tpu.memref_squeeze %dma_start3A_137 : memref<1x!tpu.dma_semaphore, #tpu.memory_space<semaphore_mem>> -> memref<!tpu.dma_semaphore, #tpu.memory_space<semaphore_mem>>
    %dma_start3A_139 = arith.constant 0 : i32
    %dma_start3A_140 = arith.constant 0 : i32
    %dma_start3A_141 = tpu.memref_slice %arg4[%dma_start3A_129, %dma_start3A_139, %dma_start3A_140] : memref<2x176x200xf32, #tpu.memory_space<vmem>> -> memref<1x176x200xf32, #tpu.memory_space<vmem>>
    %dma_start3A_142 = tpu.memref_squeeze %dma_start3A_141 : memref<1x176x200xf32, #tpu.memory_space<vmem>> -> memref<176x200xf32, #tpu.memory_space<vmem>>
    %dma_start3A_143 = arith.constant 0 : i32
    %dma_start3A_144 = tpu.memref_slice %arg2[%add3A_128, %dma_start3A_143] : memref<16907x200xf32, #tpu.memory_space<hbm>> -> memref<176x200xf32, #tpu.memory_space<hbm>>
    tpu.enqueue_dma source(%dma_start3A_144 : memref<176x200xf32, #tpu.memory_space<hbm>>) target(%dma_start3A_142 : memref<176x200xf32, #tpu.memory_space<vmem>>) target_semaphore(%dma_start3A_138 : memref<!tpu.dma_semaphore, #tpu.memory_space<semaphore_mem>>)
    %add3A_145 = arith.constant 352 : i32
    %add3A_146 = arith.addi %mul3A_2, %add3A_145 : i32
    %dma_wait3A_147 = arith.constant 0 : i32
    %dma_wait3A_148 = arith.constant 2 : i32
    %dma_wait3A_149 = arith.constant 0 : i32
    %dma_wait3A_150 = arith.constant 0 : i32
    %dma_wait3A_151 = tpu.memref_slice %arg4[%dma_wait3A_147, %dma_wait3A_149, %dma_wait3A_150] : memref<2x176x200xf32, #tpu.memory_space<vmem>> -> memref<1x176x200xf32, #tpu.memory_space<vmem>>
    %dma_wait3A_152 = tpu.memref_squeeze %dma_wait3A_151 : memref<1x176x200xf32, #tpu.memory_space<vmem>> -> memref<176x200xf32, #tpu.memory_space<vmem>>
    %dma_wait3A_153 = arith.constant 0 : i32
    %dma_wait3A_154 = tpu.memref_slice %arg2[%add3A_146, %dma_wait3A_153] : memref<16907x200xf32, #tpu.memory_space<hbm>> -> memref<176x200xf32, #tpu.memory_space<hbm>>
    %dma_wait3A_155 = tpu.memref_slice %arg5[%dma_wait3A_148] : memref<3x!tpu.dma_semaphore, #tpu.memory_space<semaphore_mem>> -> memref<1x!tpu.dma_semaphore, #tpu.memory_space<semaphore_mem>>
    %dma_wait3A_156 = tpu.memref_squeeze %dma_wait3A_155 : memref<1x!tpu.dma_semaphore, #tpu.memory_space<semaphore_mem>> -> memref<!tpu.dma_semaphore, #tpu.memory_space<semaphore_mem>>
    %dma_wait3A_157 = arith.constant 0 : i32
    %dma_wait3A_158 = arith.constant 0 : i32
    %dma_wait3A_159 = tpu.memref_slice %arg4[%dma_wait3A_147, %dma_wait3A_157, %dma_wait3A_158] : memref<2x176x200xf32, #tpu.memory_space<vmem>> -> memref<1x176x200xf32, #tpu.memory_space<vmem>>
    %dma_wait3A_160 = tpu.memref_squeeze %dma_wait3A_159 : memref<1x176x200xf32, #tpu.memory_space<vmem>> -> memref<176x200xf32, #tpu.memory_space<vmem>>
    %dma_wait3A_161 = arith.constant 0 : i32
    %dma_wait3A_162 = tpu.memref_slice %arg2[%add3A_146, %dma_wait3A_161] : memref<16907x200xf32, #tpu.memory_space<hbm>> -> memref<176x200xf32, #tpu.memory_space<hbm>>
    tpu.wait_dma2 semaphore(%dma_wait3A_156 : memref<!tpu.dma_semaphore, #tpu.memory_space<semaphore_mem>>) src(%dma_wait3A_162 : memref<176x200xf32, #tpu.memory_space<hbm>>) dst(%dma_wait3A_160 : memref<176x200xf32, #tpu.memory_space<vmem>>)
    %add3A_163 = arith.constant 352 : i32
    %add3A_164 = arith.addi %mul3A_2, %add3A_163 : i32
    %dma_start3A_165 = arith.constant 0 : i32
    %dma_start3A_166 = arith.constant 2 : i32
    %dma_start3A_167 = arith.constant 0 : i32
    %dma_start3A_168 = arith.constant 0 : i32
    %dma_start3A_169 = tpu.memref_slice %arg4[%dma_start3A_165, %dma_start3A_167, %dma_start3A_168] : memref<2x176x200xf32, #tpu.memory_space<vmem>> -> memref<1x176x200xf32, #tpu.memory_space<vmem>>
    %dma_start3A_170 = tpu.memref_squeeze %dma_start3A_169 : memref<1x176x200xf32, #tpu.memory_space<vmem>> -> memref<176x200xf32, #tpu.memory_space<vmem>>
    %dma_start3A_171 = arith.constant 0 : i32
    %dma_start3A_172 = tpu.memref_slice %arg3[%add3A_164, %dma_start3A_171] : memref<16906x200xf32, #tpu.memory_space<hbm>> -> memref<176x200xf32, #tpu.memory_space<hbm>>
    %dma_start3A_173 = tpu.memref_slice %arg6[%dma_start3A_166] : memref<3x!tpu.dma_semaphore, #tpu.memory_space<semaphore_mem>> -> memref<1x!tpu.dma_semaphore, #tpu.memory_space<semaphore_mem>>
    %dma_start3A_174 = tpu.memref_squeeze %dma_start3A_173 : memref<1x!tpu.dma_semaphore, #tpu.memory_space<semaphore_mem>> -> memref<!tpu.dma_semaphore, #tpu.memory_space<semaphore_mem>>
    %dma_start3A_175 = arith.constant 0 : i32
    %dma_start3A_176 = tpu.memref_slice %arg3[%add3A_164, %dma_start3A_175] : memref<16906x200xf32, #tpu.memory_space<hbm>> -> memref<176x200xf32, #tpu.memory_space<hbm>>
    %dma_start3A_177 = arith.constant 0 : i32
    %dma_start3A_178 = arith.constant 0 : i32
    %dma_start3A_179 = tpu.memref_slice %arg4[%dma_start3A_165, %dma_start3A_177, %dma_start3A_178] : memref<2x176x200xf32, #tpu.memory_space<vmem>> -> memref<1x176x200xf32, #tpu.memory_space<vmem>>
    %dma_start3A_180 = tpu.memref_squeeze %dma_start3A_179 : memref<1x176x200xf32, #tpu.memory_space<vmem>> -> memref<176x200xf32, #tpu.memory_space<vmem>>
    tpu.enqueue_dma source(%dma_start3A_180 : memref<176x200xf32, #tpu.memory_space<vmem>>) target(%dma_start3A_176 : memref<176x200xf32, #tpu.memory_space<hbm>>) target_semaphore(%dma_start3A_174 : memref<!tpu.dma_semaphore, #tpu.memory_space<semaphore_mem>>)
    %eq3A = arith.constant 0 : i32
    %eq3A_181 = arith.cmpi eq, %add3A, %eq3A : i32
    %convert_element_type3A = arith.extui %eq3A_181 : i1 to i32
    %cond3A = arith.constant 0 : i32
    %cond3A_182 = arith.cmpi ne, %convert_element_type3A, %cond3A : i32
    scf.if %cond3A_182 {
      "tpu.region"() ({
        %run_scoped3A = tpu.sem_alloc : memref<!tpu.dma_semaphore, #tpu.memory_space<semaphore_mem>>
        %dma_start3A_224 = arith.constant 16896 : i32
        %dma_start3A_225 = arith.constant 0 : i32
        %dma_start3A_226 = tpu.memref_slice %arg3[%dma_start3A_224, %dma_start3A_225] : memref<16906x200xf32, #tpu.memory_space<hbm>> -> memref<8x200xf32, #tpu.memory_space<hbm>>
        %dma_start3A_227 = arith.constant 16896 : i32
        %dma_start3A_228 = arith.constant 0 : i32
        %dma_start3A_229 = tpu.memref_slice %arg2[%dma_start3A_227, %dma_start3A_228] : memref<16907x200xf32, #tpu.memory_space<hbm>> -> memref<8x200xf32, #tpu.memory_space<hbm>>
        tpu.enqueue_dma source(%dma_start3A_229 : memref<8x200xf32, #tpu.memory_space<hbm>>) target(%dma_start3A_226 : memref<8x200xf32, #tpu.memory_space<hbm>>) target_semaphore(%run_scoped3A : memref<!tpu.dma_semaphore, #tpu.memory_space<semaphore_mem>>)
        %dma_wait3A_230 = arith.constant 16896 : i32
        %dma_wait3A_231 = arith.constant 0 : i32
        %dma_wait3A_232 = tpu.memref_slice %arg3[%dma_wait3A_230, %dma_wait3A_231] : memref<16906x200xf32, #tpu.memory_space<hbm>> -> memref<8x200xf32, #tpu.memory_space<hbm>>
        %dma_wait3A_233 = arith.constant 16896 : i32
        %dma_wait3A_234 = arith.constant 0 : i32
        %dma_wait3A_235 = tpu.memref_slice %arg2[%dma_wait3A_233, %dma_wait3A_234] : memref<16907x200xf32, #tpu.memory_space<hbm>> -> memref<8x200xf32, #tpu.memory_space<hbm>>
        tpu.wait_dma2 semaphore(%run_scoped3A : memref<!tpu.dma_semaphore, #tpu.memory_space<semaphore_mem>>) src(%dma_wait3A_235 : memref<8x200xf32, #tpu.memory_space<hbm>>) dst(%dma_wait3A_232 : memref<8x200xf32, #tpu.memory_space<hbm>>)
        tpu.yield
      }) : () -> ()
    } else {
    }
    %eq3A_183 = arith.constant 1 : i32
    %eq3A_184 = arith.cmpi eq, %add3A, %eq3A_183 : i32
    %convert_element_type3A_185 = arith.extui %eq3A_184 : i1 to i32
    %cond3A_186 = arith.constant 0 : i32
    %cond3A_187 = arith.cmpi ne, %convert_element_type3A_185, %cond3A_186 : i32
    scf.if %cond3A_187 {
      "tpu.region"() ({
        %run_scoped3A = tpu.sem_alloc : memref<!tpu.dma_semaphore, #tpu.memory_space<semaphore_mem>>
        %dma_start3A_224 = arith.constant 16904 : i32
        %dma_start3A_225 = arith.constant 0 : i32
        %dma_start3A_226 = tpu.memref_slice %arg3[%dma_start3A_224, %dma_start3A_225] : memref<16906x200xf32, #tpu.memory_space<hbm>> -> memref<2x200xf32, #tpu.memory_space<hbm>>
        %dma_start3A_227 = arith.constant 16904 : i32
        %dma_start3A_228 = arith.constant 0 : i32
        %dma_start3A_229 = tpu.memref_slice %arg2[%dma_start3A_227, %dma_start3A_228] : memref<16907x200xf32, #tpu.memory_space<hbm>> -> memref<2x200xf32, #tpu.memory_space<hbm>>
        tpu.enqueue_dma source(%dma_start3A_229 : memref<2x200xf32, #tpu.memory_space<hbm>>) target(%dma_start3A_226 : memref<2x200xf32, #tpu.memory_space<hbm>>) target_semaphore(%run_scoped3A : memref<!tpu.dma_semaphore, #tpu.memory_space<semaphore_mem>>)
        %dma_wait3A_230 = arith.constant 16904 : i32
        %dma_wait3A_231 = arith.constant 0 : i32
        %dma_wait3A_232 = tpu.memref_slice %arg3[%dma_wait3A_230, %dma_wait3A_231] : memref<16906x200xf32, #tpu.memory_space<hbm>> -> memref<2x200xf32, #tpu.memory_space<hbm>>
        %dma_wait3A_233 = arith.constant 16904 : i32
        %dma_wait3A_234 = arith.constant 0 : i32
        %dma_wait3A_235 = tpu.memref_slice %arg2[%dma_wait3A_233, %dma_wait3A_234] : memref<16907x200xf32, #tpu.memory_space<hbm>> -> memref<2x200xf32, #tpu.memory_space<hbm>>
        tpu.wait_dma2 semaphore(%run_scoped3A : memref<!tpu.dma_semaphore, #tpu.memory_space<semaphore_mem>>) src(%dma_wait3A_235 : memref<2x200xf32, #tpu.memory_space<hbm>>) dst(%dma_wait3A_232 : memref<2x200xf32, #tpu.memory_space<hbm>>)
        tpu.yield
      }) : () -> ()
    } else {
    }
    %add3A_188 = arith.constant 176 : i32
    %add3A_189 = arith.addi %mul3A_2, %add3A_188 : i32
    %dma_wait3A_190 = arith.constant 1 : i32
    %dma_wait3A_191 = arith.constant 1 : i32
    %dma_wait3A_192 = arith.constant 0 : i32
    %dma_wait3A_193 = arith.constant 0 : i32
    %dma_wait3A_194 = tpu.memref_slice %arg4[%dma_wait3A_190, %dma_wait3A_192, %dma_wait3A_193] : memref<2x176x200xf32, #tpu.memory_space<vmem>> -> memref<1x176x200xf32, #tpu.memory_space<vmem>>
    %dma_wait3A_195 = tpu.memref_squeeze %dma_wait3A_194 : memref<1x176x200xf32, #tpu.memory_space<vmem>> -> memref<176x200xf32, #tpu.memory_space<vmem>>
    %dma_wait3A_196 = arith.constant 0 : i32
    %dma_wait3A_197 = tpu.memref_slice %arg3[%add3A_189, %dma_wait3A_196] : memref<16906x200xf32, #tpu.memory_space<hbm>> -> memref<176x200xf32, #tpu.memory_space<hbm>>
    %dma_wait3A_198 = tpu.memref_slice %arg6[%dma_wait3A_191] : memref<3x!tpu.dma_semaphore, #tpu.memory_space<semaphore_mem>> -> memref<1x!tpu.dma_semaphore, #tpu.memory_space<semaphore_mem>>
    %dma_wait3A_199 = tpu.memref_squeeze %dma_wait3A_198 : memref<1x!tpu.dma_semaphore, #tpu.memory_space<semaphore_mem>> -> memref<!tpu.dma_semaphore, #tpu.memory_space<semaphore_mem>>
    %dma_wait3A_200 = arith.constant 0 : i32
    %dma_wait3A_201 = tpu.memref_slice %arg3[%add3A_189, %dma_wait3A_200] : memref<16906x200xf32, #tpu.memory_space<hbm>> -> memref<176x200xf32, #tpu.memory_space<hbm>>
    %dma_wait3A_202 = arith.constant 0 : i32
    %dma_wait3A_203 = arith.constant 0 : i32
    %dma_wait3A_204 = tpu.memref_slice %arg4[%dma_wait3A_190, %dma_wait3A_202, %dma_wait3A_203] : memref<2x176x200xf32, #tpu.memory_space<vmem>> -> memref<1x176x200xf32, #tpu.memory_space<vmem>>
    %dma_wait3A_205 = tpu.memref_squeeze %dma_wait3A_204 : memref<1x176x200xf32, #tpu.memory_space<vmem>> -> memref<176x200xf32, #tpu.memory_space<vmem>>
    tpu.wait_dma2 semaphore(%dma_wait3A_199 : memref<!tpu.dma_semaphore, #tpu.memory_space<semaphore_mem>>) src(%dma_wait3A_205 : memref<176x200xf32, #tpu.memory_space<vmem>>) dst(%dma_wait3A_201 : memref<176x200xf32, #tpu.memory_space<hbm>>)
    %add3A_206 = arith.constant 352 : i32
    %add3A_207 = arith.addi %mul3A_2, %add3A_206 : i32
    %dma_wait3A_208 = arith.constant 0 : i32
    %dma_wait3A_209 = arith.constant 2 : i32
    %dma_wait3A_210 = arith.constant 0 : i32
    %dma_wait3A_211 = arith.constant 0 : i32
    %dma_wait3A_212 = tpu.memref_slice %arg4[%dma_wait3A_208, %dma_wait3A_210, %dma_wait3A_211] : memref<2x176x200xf32, #tpu.memory_space<vmem>> -> memref<1x176x200xf32, #tpu.memory_space<vmem>>
    %dma_wait3A_213 = tpu.memref_squeeze %dma_wait3A_212 : memref<1x176x200xf32, #tpu.memory_space<vmem>> -> memref<176x200xf32, #tpu.memory_space<vmem>>
    %dma_wait3A_214 = arith.constant 0 : i32
    %dma_wait3A_215 = tpu.memref_slice %arg3[%add3A_207, %dma_wait3A_214] : memref<16906x200xf32, #tpu.memory_space<hbm>> -> memref<176x200xf32, #tpu.memory_space<hbm>>
    %dma_wait3A_216 = tpu.memref_slice %arg6[%dma_wait3A_209] : memref<3x!tpu.dma_semaphore, #tpu.memory_space<semaphore_mem>> -> memref<1x!tpu.dma_semaphore, #tpu.memory_space<semaphore_mem>>
    %dma_wait3A_217 = tpu.memref_squeeze %dma_wait3A_216 : memref<1x!tpu.dma_semaphore, #tpu.memory_space<semaphore_mem>> -> memref<!tpu.dma_semaphore, #tpu.memory_space<semaphore_mem>>
    %dma_wait3A_218 = arith.constant 0 : i32
    %dma_wait3A_219 = tpu.memref_slice %arg3[%add3A_207, %dma_wait3A_218] : memref<16906x200xf32, #tpu.memory_space<hbm>> -> memref<176x200xf32, #tpu.memory_space<hbm>>
    %dma_wait3A_220 = arith.constant 0 : i32
    %dma_wait3A_221 = arith.constant 0 : i32
    %dma_wait3A_222 = tpu.memref_slice %arg4[%dma_wait3A_208, %dma_wait3A_220, %dma_wait3A_221] : memref<2x176x200xf32, #tpu.memory_space<vmem>> -> memref<1x176x200xf32, #tpu.memory_space<vmem>>
    %dma_wait3A_223 = tpu.memref_squeeze %dma_wait3A_222 : memref<1x176x200xf32, #tpu.memory_space<vmem>> -> memref<176x200xf32, #tpu.memory_space<vmem>>
    tpu.wait_dma2 semaphore(%dma_wait3A_217 : memref<!tpu.dma_semaphore, #tpu.memory_space<semaphore_mem>>) src(%dma_wait3A_223 : memref<176x200xf32, #tpu.memory_space<vmem>>) dst(%dma_wait3A_219 : memref<176x200xf32, #tpu.memory_space<hbm>>)
    return
  }
}

</mosaic_0001>

<sc_bundles>
// kernel: kernel.3.cloned.1.call-start
scs
__scs_entry_jumppad:
0x0: {  	(pc) =	sbr.rel $0x88, $3  }
0x1: {  	(tag) =	ssettag $0x0;
	lr =	simm.s32 $0x1  }
0x2: {  	[smem:$0x3FA0] =	sst lr;
	_ =	strace $0xD0000000  }
0x3: {  	_ = 	snop  }
0x4: {  	_ = 	snop  }
0x5: {  	_ = 	snop  }
0x6: {  	_ = 	snop  }
0x7: {  	_ = 	snop  }
__scs_overlays_trampoline_lowered:
0x8: {  	[smem:$0x3FAF] =	sst s0  }
0x9: {  	[smem:$0x3FB0] =	sst s1  }
0xa: {  	[smem:$0x3FB1] =	sst s2  }
0xb: {  	[smem:$0x3FB2] =	sst s3  }
0xc: {  	[smem:$0x3FB3] =	sst s4  }
0xd: {  	[smem:$0x3FB4] =	sst s5  }
0xe: {  	[smem:$0x3FB5] =	sst s6  }
0xf: {  	[smem:$0x3FB6] =	sst s7  }
0x10: {  	[smem:$0x3FB7] =	sst s8  }
0x11: {  	[smem:$0x3FB8] =	sst s9;
	s0 =	simm.s32 @!p0 $0x0  }
0x12: {  	s1 =	sld [smem:$0x3F9E];
	s0 =	simm.s32 @p0 $0x1  }
0x13: {  	[smem:$0x3FB9] =	sst s0;
	s0 =	simm.s32 @!p1 $0x0  }
0x14: {  	s2 =	sld [smem:$0x3F9D];
	s0 =	simm.s32 @p1 $0x1  }
0x15: {  	[smem:$0x3FBA] =	sst s0;
	s0 =	simm.s32 @!p2 $0x0  }
0x16: {  	s3 =	sld [smem:$0x3FDB];
	s0 =	simm.s32 @p2 $0x1  }
0x17: {  	s4 =	simm.s32 $0x1BF5;
	[smem:$0x3FBC] =	sst s0  }
0x18: {  	s0 =	sld [smem:$0x3F9F];
	_ =	swait.ge [sflag:s4], $0x0  }
0x19: {  	s7 =	sld [smem:$0x3FA0]  }
0x1a: {  	s8 =	sadd.s32 $0xFFFFE003, lr  }
0x1b: {  	s9 =	sadd.s32 $0xFFFFFEF7, lr;
	s5 =	simm.s32 $0xFFFFFFFF;
	p2 =	slt.u32 s8, $0xFFFFF086  }
0x1c: {  	p1 =	slt.u32 s9, $0xF7A;
	s5 =	simm.s32 @!p2 $0x0  }
0x1d: {  	s5 =	simm.s32 @p1 $0x1;
	p0 =	seq.s32 s7, s2  }
0x1e: {  	s7 =	smul.u32 @!p0 $0xF7A, s2;
	p2 =	seq.s32 @!p0 s5, $0x0  }
0x1f: {  	s9 =	smul.u32 $0xF7A, s1;
	s8 =	simm.s32 @!p0 $0x1BF5;
	p2 =	por !p2, p0  }
0x20: {  	[sflag:s8] =	ssyncset.s32 @!p0 $0xFFFFF086;
	s6 =	sadd.s32 @!p0 s3, s7;
	s7 =	simm.s32 @!p0 $0x108  }
0x21: {  	s3 =	sadd.s32 s3, s9;
	s6 =	sadd.s32 @!p0 $0x88, s6;
	s7 =	simm.s32 @p2 $0x1082  }
0x22: {  	[simem:s7], [sflag:s8] =	dma.local @!p0 [hbm:s6], $0xF7A  }
0x23: {  	s9 =	sor.u32 $0xD0000000, s2;
	s6 =	simm.s32 $0x108;
	_ =	swait.ge @!p0 [sflag:s8], $0x0  }
0x24: {  	s3 =	sadd.s32 $0x88, s3;
	s6 =	simm.s32 @!p1 $0x1082;
	[sflag:s4] =	ssyncset.s32 $0xFFFFF086  }
0x25: {  	[simem:s6], [sflag:s4] =	dma.local [hbm:s3], $0xF7A  }
0x26: {  	[smem:$0x3FA0] =	sst s1;
	(tag) =	ssettag s2;
	_ =	strace s9  }
0x27: {  	s1 =	sld [smem:$0x3FB0]  }
0x28: {  	s2 =	sld [smem:$0x3FB1]  }
0x29: {  	s4 =	sld [smem:$0x3FB3]  }
0x2a: {  	p0 =	seq.s32 s5, $0x0;
	s5 =	sld [smem:$0x3FB4]  }
0x2b: {  	s6 =	sld [smem:$0x3FB5]  }
0x2c: {  	s7 =	sld [smem:$0x3FB6]  }
0x2d: {  	s3 =	simm.s32 $0x108;
	s8 =	sld [smem:$0x3FB7]  }
0x2e: {  	s3 =	simm.s32 @!p0 $0x1082;
	s9 =	sld [smem:$0x3FB8]  }
0x2f: {  	lr =	sadd.s32 s0, s3;
	s0 =	sld [smem:$0x3FAF]  }
0x30: {  	s3 =	sld [smem:$0x3FB2]  }
0x31: {  	[smem:$0x3FBB] =	sst s10  }
0x32: {  	s10 =	sld [smem:$0x3FB9];
	_ =	sdelay $0x3  }
0x33: {  	p0 =	seq.s32 s10, $0x1;
	s10 =	sld [smem:$0x3FBB];
	_ =	sdelay $0x3  }
0x34: {  	[smem:$0x3FBB] =	sst s10  }
0x35: {  	s10 =	sld [smem:$0x3FBA];
	_ =	sdelay $0x3  }
0x36: {  	p1 =	seq.s32 s10, $0x1;
	s10 =	sld [smem:$0x3FBB];
	_ =	sdelay $0x3  }
0x37: {  	[smem:$0x3FBB] =	sst s10  }
0x38: {  	s10 =	sld [smem:$0x3FBC]  }
0x39: {  	_ = 	snop;
	(pc) =	sbr.ind lr, $3  }
0x3a: {  	_ = 	snop  }
0x3b: {  	_ = 	snop  }
0x3c: {  	p2 =	seq.s32 s10, $0x1;
	s10 =	sld [smem:$0x3FBB]  }
0x3d: {  	_ =	shalt  }
0x3e: {  	_ =	shalt  }
0x3f: {  	_ =	shalt  }
0x40: {  	_ =	shalt  }
0x41: {  	_ =	shalt  }
0x42: {  	_ =	shalt  }
0x43: {  	_ =	shalt  }
0x44: {  	_ =	shalt  }
0x45: {  	_ =	shalt  }
0x46: {  	_ =	shalt  }
0x47: {  	_ =	shalt  }
0x48: {  	_ =	shalt  }
0x49: {  	_ =	shalt  }
0x4a: {  	_ =	shalt  }
0x4b: {  	_ =	shalt  }
0x4c: {  	_ =	shalt  }
0x4d: {  	_ =	shalt  }
0x4e: {  	_ =	shalt  }
0x4f: {  	_ =	shalt  }
0x50: {  	_ =	shalt  }
0x51: {  	_ =	shalt  }
0x52: {  	_ =	shalt  }
0x53: {  	_ =	shalt  }
0x54: {  	_ =	shalt  }
0x55: {  	_ =	shalt  }
0x56: {  	_ =	shalt  }
0x57: {  	_ =	shalt  }
0x58: {  	_ =	shalt  }
0x59: {  	_ =	shalt  }
0x5a: {  	_ =	shalt  }
0x5b: {  	_ =	shalt  }
0x5c: {  	_ =	shalt  }
0x5d: {  	_ =	shalt  }
0x5e: {  	_ =	shalt  }
0x5f: {  	_ =	shalt  }
0x60: {  	_ =	shalt  }
0x61: {  	_ =	shalt  }
0x62: {  	_ =	shalt  }
0x63: {  	_ =	shalt  }
0x64: {  	_ =	shalt  }
0x65: {  	_ =	shalt  }
0x66: {  	_ =	shalt  }
0x67: {  	_ =	shalt  }
0x68: {  	_ =	shalt  }
0x69: {  	_ =	shalt  }
0x6a: {  	_ =	shalt  }
0x6b: {  	_ =	shalt  }
0x6c: {  	_ =	shalt  }
0x6d: {  	_ =	shalt  }
0x6e: {  	_ =	shalt  }
0x6f: {  	_ =	shalt  }
0x70: {  	_ =	shalt  }
0x71: {  	_ =	shalt  }
0x72: {  	_ =	shalt  }
0x73: {  	_ =	shalt  }
0x74: {  	_ =	shalt  }
0x75: {  	_ =	shalt  }
0x76: {  	_ =	shalt  }
0x77: {  	_ =	shalt  }
0x78: {  	_ =	shalt  }
0x79: {  	_ =	shalt  }
0x7a: {  	_ =	shalt  }
0x7b: {  	_ =	shalt  }
0x7c: {  	_ =	shalt  }
0x7d: {  	_ =	shalt  }
0x7e: {  	_ =	shalt  }
0x7f: {  	_ =	shalt  }
0x80: {  	_ =	shalt  }
0x81: {  	_ =	shalt  }
0x82: {  	_ =	shalt  }
0x83: {  	_ =	shalt  }
0x84: {  	_ =	shalt  }
0x85: {  	_ =	shalt  }
0x86: {  	_ =	shalt  }
0x87: {  	_ =	shalt  }
.Lfunc_end0:
.L_simem_size_0:
called_computation_lowered:
.L_overlay_start_0:
0x88: {  	s2 =	sld [smem:$0x3FD9]  }
0x89: {  	s3 =	sld [smem:$0x3FFE];
	_ =	sdelay $0x1  }
0x8a: {  	s1 =	srdreg.scid  }
0x8b: {  	s0 =	sand.u32 $0x1, s1  }
0x8c: {  	s16 =	sshll.u32 s0, $0xA;
	s2 =	sadd.s32 s3, s2  }
0x8d: {  	s2 =	sadd.s32 s2, s16  }
0x8e: {  	[smem:$0x3FC7] =	sst s2  }
0x8f: {  	_ = 	snop  }
0x90: {  	(tm) =	ssettm $0x1  }
0x91: {  	s17 =	sld [smem:$0x3FFB];
	_ =	sdelay $0x3  }
0x92: {  	_ =	strace s17  }
0x93: {  	s2 =	sld [smem:$0x3FFC];
	_ =	sdelay $0x3  }
0x94: {  	_ =	strace s2  }
0x95: {  	s2 =	sld [smem:$0x3FFD];
	_ =	sdelay $0x3  }
0x96: {  	_ =	strace s2  }
0x97: {  	_ =	strace $0x8FFFFFFF  }
0x98: {  	s18 =	sld [smem:$0x3FDB];
	_ =	sdelay $0x1  }
0x99: {  	s19 =	simm.s32 $_scs_section_size  }
0x9a: {  	s4 =	simm.s32 $_size__tile_overlayer_lowered;
	s5 =	simm.s32 $_tile_overlayer_lowered  }
0x9b: {  	s22 =	simm.s32 $0x1BFF;
	s21 =	sshll.u32 s5, $0x1;
	s2 =	sadd.s32 s19, s18  }
0x9c: {  	s6 =	simm.s32 $0x0;
	s20 =	sshll.u32 s4, $0x1;
	s4 =	sadd.s32 s21, s2  }
0x9d: {  	[timem:s6], [sflag:s22] =	dma.local [hbm:s4], s20  }
0x9e: {  	_ =	swait.ge [sflag:s22], s20  }
0x9f: {  	s3 =	ssub.s32 $0x0, s20;
	[sflag:s22] =	ssyncset.done $0x0  }
0xa0: {  	[sflag:s22] =	ssyncadd.s32 s3;
	_ =	sdelay $0x1  }
0xa1: {  	s23 =	simm.s32 $0x1B8B  }
0xa2: {  	_ =	swait.ge [sflag:s23], $0x1  }
0xa3: {  	[sflag:s23] =	ssyncset.done $0x0  }
0xa4: {  	s25 =	simm.s32 $0x1B8E;
	s24 =	sld [smem:$0x3FFE];
	[sflag:s23] =	ssyncadd.s32 $0xFFFFFFFF  }
0xa5: {  	s26 =	simm.s32 $execute0_lowered;
	[smem:$0x3FD2] =	sst s25  }
0xa6: {  	s4 =	sshll.u32 s26, $0x1;
	_ =	strace $0x80000046;
	[dreg:$0x1] =	wrdreg $0xFFFFFFFF  }
0xa7: {  	s28 =	simm.s32 $_size_execute0_lowered;
	s2 =	sadd.s32 s2, s4;
	[dreg:$0x0] =	wrdreg $0x0  }
0xa8: {  	s4 =	sshll.u32 s28, $0x1;
	[dreg:$0x2] =	wrdreg s2  }
0xa9: {  	[dreg:$0x3] =	wrdreg s4  }
0xaa: {  	[dreg:$0x4] =	wrdreg $0xC0  }
0xab: {  	_ =	task [dreg:s6], $0x5FFFF  }
0xac: {  	[dreg:$0x1] =	wrdreg $0xFFFFFFFF  }
0xad: {  	[dreg:$0x0] =	wrdreg $0x60  }
0xae: {  	[dreg:$0x2] =	wrdreg s24  }
0xaf: {  	[dreg:$0x3] =	wrdreg $0x9  }
0xb0: {  	_ =	task.clear_ibuf [dreg:s6], $0x4FFFF;
	_ =	strace $0x90000046  }
0xb1: {  	s29 =	simm.s32 $0x9;
	_ =	strace $0x80000048  }
0xb2: {  	_ =	swait.ge [sflag:s29], $0x1  }
0xb3: {  	[sflag:s29] =	ssyncadd.s32 $0xFFFFFFFF  }
0xb4: {  	_ =	strace $0x90000048  }
0xb5: {  	_ =	sfence  }
0xb6: {  	s30 =	sld [smem:$0x0];
	_ =	sdelay $0x2  }
0xb7: {  	s31 =	sshll.u32 s1, $0xD;
	s1 =	sshrl.u32 s1, $0x2  }
0xb8: {  	s3 =	sand.u32 $0x4000, s31;
	s1 =	sadd.s32 s1, s30  }
0xb9: {  	s0 =	sor.u32 s3, s0;
	s1 =	sshll.u32 s1, $0x11  }
0xba: {  	s0 =	sor.u32 s1, s0  }
0xbb: {  	s0 =	sadd.s32 $0x8F2B, s0  }
0xbc: {  	[sflag:s0] =	ssyncadd.remote.s32 $0x1  }
0xbd: {  	_ =	sfence.sel $0xFFFF  }
0xbe: {  	[dreg:$0x0] =	wrdreg $0xFFFFFFFF;
	(pc) =	sbr.abs _section_cstart, $3  }
0xbf: {  	[dreg:$0x1] =	wrdreg $0xFFFFFFFF  }
0xc0: {  	_ =	task.clear_ibuf [dreg:s6], $0x2FFFF;
	_ =	strace $0x9FFFFFFF  }
0xc1: {  	(tm) =	ssettm $0x7FFFFFFF  }
tec
execute0_lowered:
.L_overlay_start_1:
0x0: {  	(tag) =	ssettag $0x1  }
0x1: {  	s1 =	srdreg.scid;
	s0 =	stileid.u32  }
0x2: {  	s26 =	sand.u32 $0x1, s1;
	s31 =	sshll.u32 s0, $0x1  }
0x3: {  	s17 =	sor.u32 s26, s31  }
0x4: {  	s23 =	rddreg [dreg:$0x0];
	s3 =	smul.u32 $0x21000, s17  }
0x5: {  	s2 =	simm.s32 $0x0;
	s1 =	rddreg [dreg:$0x1];
	s7 =	smul.u32 $0x4200, s17  }
0x6: {  	[smem:$0x7FF] =	sst s2;
	s10 =	sadd.s32 $0x400, s23;
	s9 =	sshrl.u32 s3, $0x3  }
0x7: {  	_ =	strace $0x80000047;
	s3 =	sadd.s32 s10, s7;
	s11 =	sadd.s32 $0x1600, s9  }
0x8: {  	[tilespmem:s2], [sflag:$0x1] =	stream.linear.gather [hbm4b:s3+s2], $0xB000, $0x38;
	[tilespmem:$0x16000] =	vst v63  }
0x9: {  	s5 =	simm.s32 $0xB000;
	s6 =	simm.s32 $0x1;
	s4 =	sadd.s32 s10, s11  }
0xa: {  	[tilespmem:s5], [sflag:$0x2] =	stream.linear.gather [hbm4b:s4+s2], $0xB000, $0x38;
	[tilespmem:$0x16000] =	vst v63  }
0xb: {  	s8 =	simm.s32 $0x2;
	_ =	swait.ge [sflag:s6], $0xB000  }
0xc: {  	s15 =	simm.s32 $0x3;
	s12 =	sadd.s32 $0x84600, s23;
	[sflag:s6] =	ssyncset.done $0x0  }
0xd: {  	s14 =	sadd.s32 $0x108700, s23;
	s7 =	sadd.s32 s12, s7;
	[sflag:s6] =	ssyncadd.s32 $0xFFFF5000  }
0xe: {  	[hbm4b:s7+s2] =	stream.linear.scatter [tilespmem:s2], [sflag:$0x4], $0xB000, $0x38;
	[tilespmem:$0x16000] =	vst v63  }
0xf: {  	s22 =	sadd.s32 $0x84400, s23;
	s28 =	ssub.s32 $0x2, s26;
	_ =	swait.ge [sflag:s8], $0xB000  }
0x10: {  	s13 =	sadd.s32 $0x2C00, s9;
	s9 =	sadd.s32 s12, s11;
	[sflag:s8] =	ssyncset.done $0x0  }
0x11: {  	s11 =	sadd.s32 s12, s13;
	s12 =	simm.s32 $0x4;
	[sflag:s8] =	ssyncadd.s32 $0xFFFF5000  }
0x12: {  	[hbm4b:s9+s2] =	stream.linear.scatter [tilespmem:s5], [sflag:$0x5], $0xB000, $0x38;
	[tilespmem:$0x16000] =	vst v63  }
0x13: {  	p0 =	seq.s32 s17, $0x1;
	s29 =	sshrl.u32 s28, $0x1;
	_ =	swait.ge [sflag:s12], $0xB000  }
0x14: {  	s16 =	sshll.u32 @p0 s0, $0x6;
	p1 =	sne.s32 @!p0 s17, $0x0;
	[sflag:s12] =	ssyncset.done $0x0  }
0x15: {  	s17 =	simm.s32 @p0 $0x7;
	s10 =	sadd.s32 s10, s13;
	[sflag:s12] =	ssyncadd.s32 $0xFFFF5000  }
0x16: {  	[tilespmem:s2], [sflag:$0x3] =	stream.linear.gather [hbm4b:s10+s2], $0xB000, $0x38;
	[tilespmem:$0x16000] =	vst v63  }
0x17: {  	s18 =	simm.s32 @p0 $0x80;
	s19 =	simm.s32 @p0 $0x2;
	_ =	swait.ge [sflag:s15], $0xB000  }
0x18: {  	s20 =	simm.s32 @p0 $0x10;
	s21 =	simm.s32 @p0 $0x100;
	[sflag:s15] =	ssyncset.done $0x0  }
0x19: {  	s16 =	sor.u32 @p0 $0x1C07, s16;
	s13 =	sadd.s32 $0x84500, s23;
	[sflag:s15] =	ssyncadd.s32 $0xFFFF5000  }
0x1a: {  	[hbm4b:s11+s2] =	stream.linear.scatter [tilespmem:s2], [sflag:$0x6], $0xB000, $0x38;
	[tilespmem:$0x16000] =	vst v63  }
0x1b: {  	[hbm:s14@s21], [sflag:s16] =	dma.strided @p0 [hbm:s13@s18], $0x0, s20, $0x10   }
0x1c: {  	[hbm:s14@s18], [sflag:s16] =	dma.strided @p0 [hbm:s13@s18], $0x40, s19, $0x10   }
0x1d: {  	s28 =	ssub.s32 s28, s29;
	p1 =	por p1, p0;
	_ =	swait.ge @p0 [sflag:s17], $0x40  }
0x1e: {  	s24 =	sshll.u32 @!p1 s0, $0x6;
	s25 =	simm.s32 @!p1 $0x7;
	[sflag:s17] =	ssyncset.done @p0 $0x0  }
0x1f: {  	s23 =	sadd.s32 $0x108600, s23;
	s24 =	sor.u32 @!p1 $0x1C07, s24;
	[sflag:s17] =	ssyncadd.s32 @p0 $0xFFFFFFC0  }
0x20: {  	[hbm:s23], [sflag:s24] =	dma.local @!p1 [hbm:s22], $0x100  }
0x21: {  	s28 =	smax.u32 s28, $0x1;
	_ =	swait.ge @!p1 [sflag:s25], $0x100  }
0x22: {  	s28 =	sadd.s32 $0xFFFFFFFF, s28;
	[sflag:s25] =	ssyncset.done @!p1 $0x0  }
0x23: {  	s26 =	simm.s32 $0x5;
	p2 =	sne.s32 s28, $0x0;
	[sflag:s25] =	ssyncadd.s32 @!p1 $0xFFFFFF00  }
.Ltmp0:
0x24: {  	_ =	swait.ge [sflag:s26], $0xB000;
	(pc) =	sbr.rel @!p2 .LBB2_2-.Ltmp0, $4  }
0x25: {  	[sflag:s26] =	ssyncset.done $0x0  }
0x26: {  	s29 =	simm.s32 $0x6;
	[sflag:s26] =	ssyncadd.s32 $0xFFFF5000  }
0x27: {  	_ =	swait.ge [sflag:s29], $0xB000  }
0x28: {  	[sflag:s29] =	ssyncset.done $0x0  }
.LBB2_1:
0x29: {  	s28 =	sadd.s32 $0xFFFFFFFF, s28;
	[sflag:s29] =	ssyncadd.s32 $0xFFFF5000  }
0x2a: {  	[tilespmem:s2], [sflag:$0x1] =	stream.linear.gather [hbm4b:s3+s2], $0xB000, $0x38;
	[tilespmem:$0x16000] =	vst v63  }
0x2b: {  	p2 =	sne.s32 s28, $0x0  }
0x2c: {  	[tilespmem:s5], [sflag:$0x2] =	stream.linear.gather [hbm4b:s4+s2], $0xB000, $0x38;
	[tilespmem:$0x16000] =	vst v63  }
0x2d: {  	_ =	swait.ge [sflag:s6], $0xB000  }
0x2e: {  	[sflag:s6] =	ssyncset.done $0x0  }
0x2f: {  	[sflag:s6] =	ssyncadd.s32 $0xFFFF5000  }
0x30: {  	[hbm4b:s7+s2] =	stream.linear.scatter [tilespmem:s2], [sflag:$0x4], $0xB000, $0x38;
	[tilespmem:$0x16000] =	vst v63  }
0x31: {  	_ =	swait.ge [sflag:s8], $0xB000  }
0x32: {  	[sflag:s8] =	ssyncset.done $0x0  }
0x33: {  	[sflag:s8] =	ssyncadd.s32 $0xFFFF5000  }
0x34: {  	[hbm4b:s9+s2] =	stream.linear.scatter [tilespmem:s5], [sflag:$0x5], $0xB000, $0x38;
	[tilespmem:$0x16000] =	vst v63  }
0x35: {  	_ =	swait.ge [sflag:s12], $0xB000  }
0x36: {  	[sflag:s12] =	ssyncset.done $0x0  }
0x37: {  	[sflag:s12] =	ssyncadd.s32 $0xFFFF5000  }
0x38: {  	[tilespmem:s2], [sflag:$0x3] =	stream.linear.gather [hbm4b:s10+s2], $0xB000, $0x38;
	[tilespmem:$0x16000] =	vst v63  }
0x39: {  	_ =	swait.ge [sflag:s15], $0xB000  }
0x3a: {  	[sflag:s15] =	ssyncset.done $0x0  }
0x3b: {  	[sflag:s15] =	ssyncadd.s32 $0xFFFF5000  }
0x3c: {  	[hbm4b:s11+s2] =	stream.linear.scatter [tilespmem:s2], [sflag:$0x6], $0xB000, $0x38;
	[tilespmem:$0x16000] =	vst v63  }
0x3d: {  	[hbm:s14@s21], [sflag:s16] =	dma.strided @p0 [hbm:s13@s18], $0x0, s20, $0x10   }
0x3e: {  	[hbm:s14@s18], [sflag:s16] =	dma.strided @p0 [hbm:s13@s18], $0x40, s19, $0x10   }
0x3f: {  	_ =	swait.ge @p0 [sflag:s17], $0x40  }
0x40: {  	[sflag:s17] =	ssyncset.done @p0 $0x0  }
0x41: {  	[sflag:s17] =	ssyncadd.s32 @p0 $0xFFFFFFC0  }
0x42: {  	[hbm:s23], [sflag:s24] =	dma.local @!p1 [hbm:s22], $0x100  }
0x43: {  	_ =	swait.ge @!p1 [sflag:s25], $0x100  }
0x44: {  	[sflag:s25] =	ssyncset.done @!p1 $0x0  }
0x45: {  	[sflag:s25] =	ssyncadd.s32 @!p1 $0xFFFFFF00  }
.Ltmp1:
0x46: {  	_ =	swait.ge [sflag:s26], $0xB000;
	(pc) =	sbr.rel @p2 .LBB2_1-.Ltmp1, $4  }
0x47: {  	[sflag:s26] =	ssyncset.done $0x0  }
0x48: {  	[sflag:s26] =	ssyncadd.s32 $0xFFFF5000  }
0x49: {  	_ =	swait.ge [sflag:s29], $0xB000  }
0x4a: {  	[sflag:s29] =	ssyncset.done $0x0  }
.LBB2_2:
0x4b: {  	[sflag:s29] =	ssyncadd.s32 $0xFFFF5000  }
0x4c: {  	_ =	sfence.sel $0x180000  }
0x4d: {  	[bflag:$0x0] =	sbarrier.arrive $0xFFFF  }
0x4e: {  	p0 =	sne.s32 s0, $0x0;
	_ =	strace $0x90000047  }
0x4f: {  	s0 =	sadd.s32 @!p0 $0x100000, s1;
	[bflag:$0x2] =	sbarrier.arrive $0xFFFF  }
0x50: {  	[sflag:s0] =	ssyncadd.tile.s32 @!p0 $0x1;
	_ =	shalt  }
.Lfunc_end2:
_tile_overlayer_lowered:
.L_overlay_start_2:
0x51: {  	(tag) =	ssettag $0x2  }
0x52: {  	s0 =	rddreg [dreg:$0x0];
	s2 =	stileid.u32  }
0x53: {  	s1 =	rddreg [dreg:$0x1];
	p0 =	sne.s32 s2, $0x0  }
0x54: {  	s3 =	rddreg [dreg:$0x2];
	[bflag:$0x3] =	sbarrier.arrive $0xFFFF;
	s2 =	simm.s32 @!p0 $0x1C07  }
0x55: {  	[timem:s3], [sflag:s2] =	dma.local @!p0 [hbm:s0], s1  }
0x56: {  	s0 =	simm.s32 @!p0 $0x7  }
0x57: {  	_ =	swait.ge @!p0 [sflag:s0], s1  }
0x58: {  	s1 =	ssub.s32 @!p0 $0x0, s1;
	[sflag:s0] =	ssyncset.done @!p0 $0x0  }
0x59: {  	[sflag:s0] =	ssyncadd.s32 @!p0 s1  }
0x5a: {  	[bflag:$0x3] =	sbarrier.arrive $0xFFFF  }
0x5b: {  	_ =	shalt  }

</sc_bundles>
